<compile_context>
chip_gen: v7x
topology: tpu7x:2x2x1
jax: 0.10.2.dev20260603
libtpu: 0.0.44.dev20260713+nightly
codegen_flags: <defaults>
</compile_context>

<pallas_src>
import functools

import jax
import jax.numpy as jnp
from jax import lax
from jax.experimental import pallas as pl
from jax.experimental.pallas import tpu as pltpu
from jax.experimental.pallas import tpu_sc as plsc

B, S, D = 16, 2048, 1024
L = 16
H = B // 2
C = 2

_PERM = [(k // 8) * 2 + (k % 2) for k in range(4 * L)]


def _mid_body(table_hbm, lr_hbm, out_hbm, lr_v, idx_v, rowsa_v, zrow_v,
              g0, w0):
    t = lax.axis_index("s")
    base = t * C

    pltpu.sync_copy(lr_hbm, lr_v)
    hs = [lr_v[pl.ds(s * L, L)] for s in range(4)]
    rs = [lr_v[pl.ds((4 + s) * L, L)] for s in range(4)]
    for s in range(4):
        idx_v[pl.ds(s * L, L)] = lax.shift_right_logical(hs[s], 1) + rs[s]
    ibase = t * 8
    cp0 = pltpu.async_copy(
        table_hbm.at[idx_v.at[pl.ds(ibase, C)]], rowsa_v, g0
    )
    zeros = jnp.zeros((L,), jnp.float32)

    def zchunk(j, c):
        zrow_v[0, pl.ds(j * L, L)] = zeros
        return c

    lax.fori_loop(0, D // L, zchunk, 0)
    cp0.wait()
    wr0 = pltpu.async_copy(rowsa_v, out_hbm.at[pl.ds(base, C)], w0)
    wr0.wait()
    for i in range(C):
        my_len = hs[3][8 + i]
        for tt in range(6, -1, -1):
            my_len = jnp.where(t == tt, hs[tt // 2][(tt % 2) * 8 + i], my_len)

        @pl.when(my_len == 0)
        def _zero(i=i):
            pltpu.sync_copy(zrow_v, out_hbm.at[pl.ds(base + i, 1)])


def kernel(payload, seq_lens):
    table = payload.reshape(B * S, D)
    lens = seq_lens.astype(jnp.int32)
    perm = jnp.asarray(_PERM, dtype=jnp.int32)
    lens_p = lens[perm]
    rows_p = perm * jnp.int32(S)
    lr = jnp.concatenate([lens_p, rows_p])
    mesh = plsc.VectorSubcoreMesh(
        core_axis_name="c", subcore_axis_name="s", num_cores=1, num_subcores=8
    )
    k = functools.partial(
        pl.kernel,
        mesh=mesh,
        out_type=jax.ShapeDtypeStruct((B, D), jnp.float32),
        scratch_types=[
            pltpu.VMEM((8 * L,), jnp.int32),
            pltpu.VMEM((4 * L,), jnp.int32),
            pltpu.VMEM((C, D), jnp.float32),
            pltpu.VMEM((1, D), jnp.float32),
            pltpu.SemaphoreType.DMA,
            pltpu.SemaphoreType.DMA,
        ],
    )(_mid_body)
    return k(table, lr)

# --- scband reference (transcript-rebuilt; emitter-appended) ---
"""Pipeline reference for scband-middle-aggregator-78554951843944 (READ-ONLY COPY).

The authoritative reference and input builder live on the scoring server;
editing this copy changes nothing except your own understanding.
"""

import jax, jax.numpy as jnp
import numpy as np

def setup_inputs(seed: int = 0) -> dict:
    key = jax.random.key(seed)
    k1, k2 = jax.random.split(key)
    payload = jax.random.normal(k1, (16, 2048, 1024), dtype=jnp.float32)
    seq_lens = jax.random.randint(k2, (16,), 0, 2048, dtype=jnp.int64) if jax.config.jax_enable_x64 else jax.random.randint(k2, (16,), 0, 2048, dtype=jnp.int32)
    return {"payload": payload, "seq_lens": seq_lens}

def reference(payload, seq_lens):
    # MiddleAggregator: pick the middle timestep embedding from each padded sequence.
    empty_mask = seq_lens == 0
    indices = seq_lens // 2  # [B]
    # torch take_along_dim(indices[:, None, None], 1).squeeze(1)
    mid = jnp.take_along_axis(payload, indices[:, None, None].astype(jnp.int32), axis=1)  # [B, 1, D]
    mid = jnp.squeeze(mid, axis=1)  # [B, D]
    # masked_fill_ zeros for empty sequences
    mid = jnp.where(empty_mask[:, None], jnp.zeros_like(mid), mid)
    return mid

if __name__ == "__main__":
    import jax
    _d = setup_inputs()
    print(jax.jit(kernel)(*tuple(_d.values())))

</pallas_src>

<mosaic_0001>
#map = affine_map<(d0, d1) -> (0, 0)>
#map1 = affine_map<(d0, d1) -> (0)>
module attributes {stable_mosaic.version = 14 : i64} {
  func.func @_mid_body(%arg0: i32, %arg1: i32, %arg2: memref<32768x1024xf32, #tpu.memory_space<hbm>>, %arg3: memref<128xi32, #tpu.memory_space<hbm>>, %arg4: memref<16x1024xf32, #tpu.memory_space<hbm>>, %arg5: memref<128xi32, #tpu.memory_space<vmem>>, %arg6: memref<64xi32, #tpu.memory_space<vmem>>, %arg7: memref<2x1024xf32, #tpu.memory_space<vmem>>, %arg8: memref<1x1024xf32, #tpu.memory_space<vmem>>, %arg9: memref<!tpu.dma_semaphore, #tpu.memory_space<semaphore_mem>>, %arg10: memref<!tpu.dma_semaphore, #tpu.memory_space<semaphore_mem>>) attributes {dimension_semantics = [#tpu.dimension_semantics<core_parallel>, #tpu.dimension_semantics<subcore_parallel>], iteration_bounds = array<i64: 1, 8>, scalar_prefetch = 0 : i64, scratch_operands = 6 : i64, tpu.core_type = #tpu.core_type<sc_vector_subcore>, window_params = [{transform_indices = #map}, {transform_indices = #map1}, {transform_indices = #map}]} {
    %mul3A = arith.constant 2 : i32
    %mul3A_0 = arith.muli %arg1, %mul3A : i32
    "tpu.region"() ({
      %run_scoped3A = tpu.sem_alloc : memref<!tpu.dma_semaphore, #tpu.memory_space<semaphore_mem>>
      tpu.enqueue_dma source(%arg3 : memref<128xi32, #tpu.memory_space<hbm>>) target(%arg5 : memref<128xi32, #tpu.memory_space<vmem>>) target_semaphore(%run_scoped3A : memref<!tpu.dma_semaphore, #tpu.memory_space<semaphore_mem>>)
      tpu.wait_dma2 semaphore(%run_scoped3A : memref<!tpu.dma_semaphore, #tpu.memory_space<semaphore_mem>>) src(%arg3 : memref<128xi32, #tpu.memory_space<hbm>>) dst(%arg5 : memref<128xi32, #tpu.memory_space<vmem>>)
      tpu.yield
    }) : () -> ()
    %get3A = arith.constant 0 : index
    %get3A_1 = tpu.vector_load %arg5[%get3A] {strides = array<i32>} : memref<128xi32, #tpu.memory_space<vmem>>, vector<16xi32>,
    %get3A_2 = vector.shape_cast %get3A_1 : vector<16xi32> to vector<16xi32>
    %get3A_3 = arith.constant 16 : index
    %get3A_4 = tpu.vector_load %arg5[%get3A_3] {strides = array<i32>} : memref<128xi32, #tpu.memory_space<vmem>>, vector<16xi32>,
    %get3A_5 = vector.shape_cast %get3A_4 : vector<16xi32> to vector<16xi32>
    %get3A_6 = arith.constant 32 : index
    %get3A_7 = tpu.vector_load %arg5[%get3A_6] {strides = array<i32>} : memref<128xi32, #tpu.memory_space<vmem>>, vector<16xi32>,
    %get3A_8 = vector.shape_cast %get3A_7 : vector<16xi32> to vector<16xi32>
    %get3A_9 = arith.constant 48 : index
    %get3A_10 = tpu.vector_load %arg5[%get3A_9] {strides = array<i32>} : memref<128xi32, #tpu.memory_space<vmem>>, vector<16xi32>,
    %get3A_11 = vector.shape_cast %get3A_10 : vector<16xi32> to vector<16xi32>
    %get3A_12 = arith.constant 64 : index
    %get3A_13 = tpu.vector_load %arg5[%get3A_12] {strides = array<i32>} : memref<128xi32, #tpu.memory_space<vmem>>, vector<16xi32>,
    %get3A_14 = vector.shape_cast %get3A_13 : vector<16xi32> to vector<16xi32>
    %get3A_15 = arith.constant 80 : index
    %get3A_16 = tpu.vector_load %arg5[%get3A_15] {strides = array<i32>} : memref<128xi32, #tpu.memory_space<vmem>>, vector<16xi32>,
    %get3A_17 = vector.shape_cast %get3A_16 : vector<16xi32> to vector<16xi32>
    %get3A_18 = arith.constant 96 : index
    %get3A_19 = tpu.vector_load %arg5[%get3A_18] {strides = array<i32>} : memref<128xi32, #tpu.memory_space<vmem>>, vector<16xi32>,
    %get3A_20 = vector.shape_cast %get3A_19 : vector<16xi32> to vector<16xi32>
    %get3A_21 = arith.constant 112 : index
    %get3A_22 = tpu.vector_load %arg5[%get3A_21] {strides = array<i32>} : memref<128xi32, #tpu.memory_space<vmem>>, vector<16xi32>,
    %get3A_23 = vector.shape_cast %get3A_22 : vector<16xi32> to vector<16xi32>
    %shift_right_logical3A = arith.constant 1 : i32
    %shift_right_logical3A_24 = vector.broadcast %shift_right_logical3A : i32 to vector<16xi32>
    %shift_right_logical3A_25 = arith.shrui %get3A_2, %shift_right_logical3A_24 : vector<16xi32>
    %add3A = arith.addi %shift_right_logical3A_25, %get3A_14 : vector<16xi32>
    %swap3A = arith.constant 0 : index
    %swap3A_26 = tpu.vector_load %arg6[%swap3A] {strides = array<i32>} : memref<64xi32, #tpu.memory_space<vmem>>, vector<16xi32>,
    %swap3A_27 = vector.shape_cast %swap3A_26 : vector<16xi32> to vector<16xi32>
    %swap3A_28 = vector.shape_cast %add3A : vector<16xi32> to vector<16xi32>
    tpu.vector_store %arg6[%swap3A], %swap3A_28 {strides = array<i32>} : memref<64xi32, #tpu.memory_space<vmem>>, vector<16xi32>,
    %shift_right_logical3A_29 = arith.constant 1 : i32
    %shift_right_logical3A_30 = vector.broadcast %shift_right_logical3A_29 : i32 to vector<16xi32>
    %shift_right_logical3A_31 = arith.shrui %get3A_5, %shift_right_logical3A_30 : vector<16xi32>
    %add3A_32 = arith.addi %shift_right_logical3A_31, %get3A_17 : vector<16xi32>
    %swap3A_33 = arith.constant 16 : index
    %swap3A_34 = tpu.vector_load %arg6[%swap3A_33] {strides = array<i32>} : memref<64xi32, #tpu.memory_space<vmem>>, vector<16xi32>,
    %swap3A_35 = vector.shape_cast %swap3A_34 : vector<16xi32> to vector<16xi32>
    %swap3A_36 = vector.shape_cast %add3A_32 : vector<16xi32> to vector<16xi32>
    tpu.vector_store %arg6[%swap3A_33], %swap3A_36 {strides = array<i32>} : memref<64xi32, #tpu.memory_space<vmem>>, vector<16xi32>,
    %shift_right_logical3A_37 = arith.constant 1 : i32
    %shift_right_logical3A_38 = vector.broadcast %shift_right_logical3A_37 : i32 to vector<16xi32>
    %shift_right_logical3A_39 = arith.shrui %get3A_8, %shift_right_logical3A_38 : vector<16xi32>
    %add3A_40 = arith.addi %shift_right_logical3A_39, %get3A_20 : vector<16xi32>
    %swap3A_41 = arith.constant 32 : index
    %swap3A_42 = tpu.vector_load %arg6[%swap3A_41] {strides = array<i32>} : memref<64xi32, #tpu.memory_space<vmem>>, vector<16xi32>,
    %swap3A_43 = vector.shape_cast %swap3A_42 : vector<16xi32> to vector<16xi32>
    %swap3A_44 = vector.shape_cast %add3A_40 : vector<16xi32> to vector<16xi32>
    tpu.vector_store %arg6[%swap3A_41], %swap3A_44 {strides = array<i32>} : memref<64xi32, #tpu.memory_space<vmem>>, vector<16xi32>,
    %shift_right_logical3A_45 = arith.constant 1 : i32
    %shift_right_logical3A_46 = vector.broadcast %shift_right_logical3A_45 : i32 to vector<16xi32>
    %shift_right_logical3A_47 = arith.shrui %get3A_11, %shift_right_logical3A_46 : vector<16xi32>
    %add3A_48 = arith.addi %shift_right_logical3A_47, %get3A_23 : vector<16xi32>
    %swap3A_49 = arith.constant 48 : index
    %swap3A_50 = tpu.vector_load %arg6[%swap3A_49] {strides = array<i32>} : memref<64xi32, #tpu.memory_space<vmem>>, vector<16xi32>,
    %swap3A_51 = vector.shape_cast %swap3A_50 : vector<16xi32> to vector<16xi32>
    %swap3A_52 = vector.shape_cast %add3A_48 : vector<16xi32> to vector<16xi32>
    tpu.vector_store %arg6[%swap3A_49], %swap3A_52 {strides = array<i32>} : memref<64xi32, #tpu.memory_space<vmem>>, vector<16xi32>,
    %mul3A_53 = arith.constant 8 : i32
    %mul3A_54 = arith.muli %arg1, %mul3A_53 : i32
    %dma_start3A = tpu.memref_slice %arg6[%mul3A_54] : memref<64xi32, #tpu.memory_space<vmem>> -> memref<2xi32, #tpu.memory_space<vmem>>
    %dma_start3A_55 = arith.constant 0 : i32
    %dma_start3A_56 = arith.constant 0 : i32
    %dma_start3A_57 = tpu.memref_slice %arg2[%dma_start3A_55, %dma_start3A_56] : memref<32768x1024xf32, #tpu.memory_space<hbm>> -> memref<32768x1024xf32, #tpu.memory_space<hbm>>
    tpu.enqueue_indirect_dma source(%dma_start3A_57 : memref<32768x1024xf32, #tpu.memory_space<hbm>>) target(%arg7 : memref<2x1024xf32, #tpu.memory_space<vmem>>) offsets(%dma_start3A : memref<2xi32, #tpu.memory_space<vmem>>) semaphore(%arg9 : memref<!tpu.dma_semaphore, #tpu.memory_space<semaphore_mem>>)
    %broadcast_in_dim3A = arith.constant 0.000000e+00 : f32
    %broadcast_in_dim3A_58 = vector.broadcast %broadcast_in_dim3A : f32 to vector<16xf32>
    %scan3A = arith.constant 0 : i32
    %scan3A_59 = arith.constant 0 : i32
    %scan3A_60 = arith.constant 64 : i32
    %scan3A_61 = arith.addi %scan3A_59, %scan3A_60 : i32
    %scan3A_62 = arith.constant 1 : i32
    scf.for %scan3A_153 = %scan3A_59 to %scan3A_61 step %scan3A_62  : i32 {
      %mul3A_154 = arith.constant 16 : i32
      %mul3A_155 = arith.muli %scan3A_153, %mul3A_154 : i32
      %swap3A_156 = arith.constant 0 : i32
      %swap3A_157 = arith.index_cast %swap3A_156 : i32 to index
      %swap3A_158 = arith.index_cast %mul3A_155 : i32 to index
      %swap3A_159 = tpu.vector_load %arg8[%swap3A_157, %swap3A_158] {strides = array<i32>} : memref<1x1024xf32, #tpu.memory_space<vmem>>, vector<1x16xf32>,
      %swap3A_160 = vector.shape_cast %swap3A_159 : vector<1x16xf32> to vector<16xf32>
      %swap3A_161 = vector.shape_cast %broadcast_in_dim3A_58 : vector<16xf32> to vector<1x16xf32>
      tpu.vector_store %arg8[%swap3A_157, %swap3A_158], %swap3A_161 {strides = array<i32>} : memref<1x1024xf32, #tpu.memory_space<vmem>>, vector<1x16xf32>,
    }
    %scan3A_63 = arith.constant 64 : i32
    %dma_wait3A = tpu.memref_slice %arg6[%mul3A_54] : memref<64xi32, #tpu.memory_space<vmem>> -> memref<2xi32, #tpu.memory_space<vmem>>
    %dma_wait3A_64 = arith.constant 0 : i32
    %dma_wait3A_65 = arith.constant 0 : i32
    %dma_wait3A_66 = tpu.memref_slice %arg2[%dma_wait3A_64, %dma_wait3A_65] : memref<32768x1024xf32, #tpu.memory_space<hbm>> -> memref<32768x1024xf32, #tpu.memory_space<hbm>>
    tpu.wait_indirect_dma semaphore(%arg9 : memref<!tpu.dma_semaphore, #tpu.memory_space<semaphore_mem>>) src(%dma_wait3A_66 : memref<32768x1024xf32, #tpu.memory_space<hbm>>) dst(%arg7 : memref<2x1024xf32, #tpu.memory_space<vmem>>)
    %dma_start3A_67 = arith.constant 0 : i32
    %dma_start3A_68 = tpu.memref_slice %arg4[%mul3A_0, %dma_start3A_67] : memref<16x1024xf32, #tpu.memory_space<hbm>> -> memref<2x1024xf32, #tpu.memory_space<hbm>>
    %dma_start3A_69 = arith.constant 0 : i32
    %dma_start3A_70 = tpu.memref_slice %arg4[%mul3A_0, %dma_start3A_69] : memref<16x1024xf32, #tpu.memory_space<hbm>> -> memref<2x1024xf32, #tpu.memory_space<hbm>>
    tpu.enqueue_dma source(%arg7 : memref<2x1024xf32, #tpu.memory_space<vmem>>) target(%dma_start3A_70 : memref<2x1024xf32, #tpu.memory_space<hbm>>) target_semaphore(%arg10 : memref<!tpu.dma_semaphore, #tpu.memory_space<semaphore_mem>>)
    %dma_wait3A_71 = arith.constant 0 : i32
    %dma_wait3A_72 = tpu.memref_slice %arg4[%mul3A_0, %dma_wait3A_71] : memref<16x1024xf32, #tpu.memory_space<hbm>> -> memref<2x1024xf32, #tpu.memory_space<hbm>>
    %dma_wait3A_73 = arith.constant 0 : i32
    %dma_wait3A_74 = tpu.memref_slice %arg4[%mul3A_0, %dma_wait3A_73] : memref<16x1024xf32, #tpu.memory_space<hbm>> -> memref<2x1024xf32, #tpu.memory_space<hbm>>
    tpu.wait_dma2 semaphore(%arg10 : memref<!tpu.dma_semaphore, #tpu.memory_space<semaphore_mem>>) src(%arg7 : memref<2x1024xf32, #tpu.memory_space<vmem>>) dst(%dma_wait3A_74 : memref<2x1024xf32, #tpu.memory_space<hbm>>)
    %slice3A = vector.extract_strided_slice %get3A_11 {offsets = [8], sizes = [1], strides = [1]} : vector<16xi32> to vector<1xi32>
    %squeeze3A = vector.extract %slice3A[0] : i32 from vector<1xi32>
    %eq3A = arith.constant 6 : i32
    %eq3A_75 = arith.cmpi eq, %arg1, %eq3A : i32
    %slice3A_76 = vector.extract_strided_slice %get3A_11 {offsets = [0], sizes = [1], strides = [1]} : vector<16xi32> to vector<1xi32>
    %squeeze3A_77 = vector.extract %slice3A_76[0] : i32 from vector<1xi32>
    %select_n3A = arith.select %eq3A_75, %squeeze3A_77, %squeeze3A : i32
    %eq3A_78 = arith.constant 5 : i32
    %eq3A_79 = arith.cmpi eq, %arg1, %eq3A_78 : i32
    %slice3A_80 = vector.extract_strided_slice %get3A_8 {offsets = [8], sizes = [1], strides = [1]} : vector<16xi32> to vector<1xi32>
    %squeeze3A_81 = vector.extract %slice3A_80[0] : i32 from vector<1xi32>
    %select_n3A_82 = arith.select %eq3A_79, %squeeze3A_81, %select_n3A : i32
    %eq3A_83 = arith.constant 4 : i32
    %eq3A_84 = arith.cmpi eq, %arg1, %eq3A_83 : i32
    %slice3A_85 = vector.extract_strided_slice %get3A_8 {offsets = [0], sizes = [1], strides = [1]} : vector<16xi32> to vector<1xi32>
    %squeeze3A_86 = vector.extract %slice3A_85[0] : i32 from vector<1xi32>
    %select_n3A_87 = arith.select %eq3A_84, %squeeze3A_86, %select_n3A_82 : i32
    %eq3A_88 = arith.constant 3 : i32
    %eq3A_89 = arith.cmpi eq, %arg1, %eq3A_88 : i32
    %slice3A_90 = vector.extract_strided_slice %get3A_5 {offsets = [8], sizes = [1], strides = [1]} : vector<16xi32> to vector<1xi32>
    %squeeze3A_91 = vector.extract %slice3A_90[0] : i32 from vector<1xi32>
    %select_n3A_92 = arith.select %eq3A_89, %squeeze3A_91, %select_n3A_87 : i32
    %eq3A_93 = arith.constant 2 : i32
    %eq3A_94 = arith.cmpi eq, %arg1, %eq3A_93 : i32
    %slice3A_95 = vector.extract_strided_slice %get3A_5 {offsets = [0], sizes = [1], strides = [1]} : vector<16xi32> to vector<1xi32>
    %squeeze3A_96 = vector.extract %slice3A_95[0] : i32 from vector<1xi32>
    %select_n3A_97 = arith.select %eq3A_94, %squeeze3A_96, %select_n3A_92 : i32
    %eq3A_98 = arith.constant 1 : i32
    %eq3A_99 = arith.cmpi eq, %arg1, %eq3A_98 : i32
    %slice3A_100 = vector.extract_strided_slice %get3A_2 {offsets = [8], sizes = [1], strides = [1]} : vector<16xi32> to vector<1xi32>
    %squeeze3A_101 = vector.extract %slice3A_100[0] : i32 from vector<1xi32>
    %select_n3A_102 = arith.select %eq3A_99, %squeeze3A_101, %select_n3A_97 : i32
    %eq3A_103 = arith.constant 0 : i32
    %eq3A_104 = arith.cmpi eq, %arg1, %eq3A_103 : i32
    %slice3A_105 = vector.extract_strided_slice %get3A_2 {offsets = [0], sizes = [1], strides = [1]} : vector<16xi32> to vector<1xi32>
    %squeeze3A_106 = vector.extract %slice3A_105[0] : i32 from vector<1xi32>
    %select_n3A_107 = arith.select %eq3A_104, %squeeze3A_106, %select_n3A_102 : i32
    %eq3A_108 = arith.constant 0 : i32
    %eq3A_109 = arith.cmpi eq, %select_n3A_107, %eq3A_108 : i32
    %convert_element_type3A = arith.extui %eq3A_109 : i1 to i32
    %cond3A = arith.constant 0 : i32
    %cond3A_110 = arith.cmpi ne, %convert_element_type3A, %cond3A : i32
    scf.if %cond3A_110 {
      %add3A_153 = arith.constant 0 : i32
      %add3A_154 = arith.addi %mul3A_0, %add3A_153 : i32
      "tpu.region"() ({
        %run_scoped3A = tpu.sem_alloc : memref<!tpu.dma_semaphore, #tpu.memory_space<semaphore_mem>>
        %dma_start3A_155 = arith.constant 0 : i32
        %dma_start3A_156 = tpu.memref_slice %arg4[%add3A_154, %dma_start3A_155] : memref<16x1024xf32, #tpu.memory_space<hbm>> -> memref<1x1024xf32, #tpu.memory_space<hbm>>
        %dma_start3A_157 = arith.constant 0 : i32
        %dma_start3A_158 = tpu.memref_slice %arg4[%add3A_154, %dma_start3A_157] : memref<16x1024xf32, #tpu.memory_space<hbm>> -> memref<1x1024xf32, #tpu.memory_space<hbm>>
        tpu.enqueue_dma source(%arg8 : memref<1x1024xf32, #tpu.memory_space<vmem>>) target(%dma_start3A_158 : memref<1x1024xf32, #tpu.memory_space<hbm>>) target_semaphore(%run_scoped3A : memref<!tpu.dma_semaphore, #tpu.memory_space<semaphore_mem>>)
        %dma_wait3A_159 = arith.constant 0 : i32
        %dma_wait3A_160 = tpu.memref_slice %arg4[%add3A_154, %dma_wait3A_159] : memref<16x1024xf32, #tpu.memory_space<hbm>> -> memref<1x1024xf32, #tpu.memory_space<hbm>>
        %dma_wait3A_161 = arith.constant 0 : i32
        %dma_wait3A_162 = tpu.memref_slice %arg4[%add3A_154, %dma_wait3A_161] : memref<16x1024xf32, #tpu.memory_space<hbm>> -> memref<1x1024xf32, #tpu.memory_space<hbm>>
        tpu.wait_dma2 semaphore(%run_scoped3A : memref<!tpu.dma_semaphore, #tpu.memory_space<semaphore_mem>>) src(%arg8 : memref<1x1024xf32, #tpu.memory_space<vmem>>) dst(%dma_wait3A_162 : memref<1x1024xf32, #tpu.memory_space<hbm>>)
        tpu.yield
      }) : () -> ()
    } else {
    }
    %slice3A_111 = vector.extract_strided_slice %get3A_11 {offsets = [9], sizes = [1], strides = [1]} : vector<16xi32> to vector<1xi32>
    %squeeze3A_112 = vector.extract %slice3A_111[0] : i32 from vector<1xi32>
    %eq3A_113 = arith.constant 6 : i32
    %eq3A_114 = arith.cmpi eq, %arg1, %eq3A_113 : i32
    %slice3A_115 = vector.extract_strided_slice %get3A_11 {offsets = [1], sizes = [1], strides = [1]} : vector<16xi32> to vector<1xi32>
    %squeeze3A_116 = vector.extract %slice3A_115[0] : i32 from vector<1xi32>
    %select_n3A_117 = arith.select %eq3A_114, %squeeze3A_116, %squeeze3A_112 : i32
    %eq3A_118 = arith.constant 5 : i32
    %eq3A_119 = arith.cmpi eq, %arg1, %eq3A_118 : i32
    %slice3A_120 = vector.extract_strided_slice %get3A_8 {offsets = [9], sizes = [1], strides = [1]} : vector<16xi32> to vector<1xi32>
    %squeeze3A_121 = vector.extract %slice3A_120[0] : i32 from vector<1xi32>
    %select_n3A_122 = arith.select %eq3A_119, %squeeze3A_121, %select_n3A_117 : i32
    %eq3A_123 = arith.constant 4 : i32
    %eq3A_124 = arith.cmpi eq, %arg1, %eq3A_123 : i32
    %slice3A_125 = vector.extract_strided_slice %get3A_8 {offsets = [1], sizes = [1], strides = [1]} : vector<16xi32> to vector<1xi32>
    %squeeze3A_126 = vector.extract %slice3A_125[0] : i32 from vector<1xi32>
    %select_n3A_127 = arith.select %eq3A_124, %squeeze3A_126, %select_n3A_122 : i32
    %eq3A_128 = arith.constant 3 : i32
    %eq3A_129 = arith.cmpi eq, %arg1, %eq3A_128 : i32
    %slice3A_130 = vector.extract_strided_slice %get3A_5 {offsets = [9], sizes = [1], strides = [1]} : vector<16xi32> to vector<1xi32>
    %squeeze3A_131 = vector.extract %slice3A_130[0] : i32 from vector<1xi32>
    %select_n3A_132 = arith.select %eq3A_129, %squeeze3A_131, %select_n3A_127 : i32
    %eq3A_133 = arith.constant 2 : i32
    %eq3A_134 = arith.cmpi eq, %arg1, %eq3A_133 : i32
    %slice3A_135 = vector.extract_strided_slice %get3A_5 {offsets = [1], sizes = [1], strides = [1]} : vector<16xi32> to vector<1xi32>
    %squeeze3A_136 = vector.extract %slice3A_135[0] : i32 from vector<1xi32>
    %select_n3A_137 = arith.select %eq3A_134, %squeeze3A_136, %select_n3A_132 : i32
    %eq3A_138 = arith.constant 1 : i32
    %eq3A_139 = arith.cmpi eq, %arg1, %eq3A_138 : i32
    %slice3A_140 = vector.extract_strided_slice %get3A_2 {offsets = [9], sizes = [1], strides = [1]} : vector<16xi32> to vector<1xi32>
    %squeeze3A_141 = vector.extract %slice3A_140[0] : i32 from vector<1xi32>
    %select_n3A_142 = arith.select %eq3A_139, %squeeze3A_141, %select_n3A_137 : i32
    %eq3A_143 = arith.constant 0 : i32
    %eq3A_144 = arith.cmpi eq, %arg1, %eq3A_143 : i32
    %slice3A_145 = vector.extract_strided_slice %get3A_2 {offsets = [1], sizes = [1], strides = [1]} : vector<16xi32> to vector<1xi32>
    %squeeze3A_146 = vector.extract %slice3A_145[0] : i32 from vector<1xi32>
    %select_n3A_147 = arith.select %eq3A_144, %squeeze3A_146, %select_n3A_142 : i32
    %eq3A_148 = arith.constant 0 : i32
    %eq3A_149 = arith.cmpi eq, %select_n3A_147, %eq3A_148 : i32
    %convert_element_type3A_150 = arith.extui %eq3A_149 : i1 to i32
    %cond3A_151 = arith.constant 0 : i32
    %cond3A_152 = arith.cmpi ne, %convert_element_type3A_150, %cond3A_151 : i32
    scf.if %cond3A_152 {
      %add3A_153 = arith.constant 1 : i32
      %add3A_154 = arith.addi %mul3A_0, %add3A_153 : i32
      "tpu.region"() ({
        %run_scoped3A = tpu.sem_alloc : memref<!tpu.dma_semaphore, #tpu.memory_space<semaphore_mem>>
        %dma_start3A_155 = arith.constant 0 : i32
        %dma_start3A_156 = tpu.memref_slice %arg4[%add3A_154, %dma_start3A_155] : memref<16x1024xf32, #tpu.memory_space<hbm>> -> memref<1x1024xf32, #tpu.memory_space<hbm>>
        %dma_start3A_157 = arith.constant 0 : i32
        %dma_start3A_158 = tpu.memref_slice %arg4[%add3A_154, %dma_start3A_157] : memref<16x1024xf32, #tpu.memory_space<hbm>> -> memref<1x1024xf32, #tpu.memory_space<hbm>>
        tpu.enqueue_dma source(%arg8 : memref<1x1024xf32, #tpu.memory_space<vmem>>) target(%dma_start3A_158 : memref<1x1024xf32, #tpu.memory_space<hbm>>) target_semaphore(%run_scoped3A : memref<!tpu.dma_semaphore, #tpu.memory_space<semaphore_mem>>)
        %dma_wait3A_159 = arith.constant 0 : i32
        %dma_wait3A_160 = tpu.memref_slice %arg4[%add3A_154, %dma_wait3A_159] : memref<16x1024xf32, #tpu.memory_space<hbm>> -> memref<1x1024xf32, #tpu.memory_space<hbm>>
        %dma_wait3A_161 = arith.constant 0 : i32
        %dma_wait3A_162 = tpu.memref_slice %arg4[%add3A_154, %dma_wait3A_161] : memref<16x1024xf32, #tpu.memory_space<hbm>> -> memref<1x1024xf32, #tpu.memory_space<hbm>>
        tpu.wait_dma2 semaphore(%run_scoped3A : memref<!tpu.dma_semaphore, #tpu.memory_space<semaphore_mem>>) src(%arg8 : memref<1x1024xf32, #tpu.memory_space<vmem>>) dst(%dma_wait3A_162 : memref<1x1024xf32, #tpu.memory_space<hbm>>)
        tpu.yield
      }) : () -> ()
    } else {
    }
    return
  }
}

</mosaic_0001>

<sc_bundles>
// kernel: kernel.3.cloned.1.call-start
scs
__scs_entry_jumppad:
0x0: {  	(pc) =	sbr.rel $0x88, $3  }
0x1: {  	(tag) =	ssettag $0x0;
	lr =	simm.s32 $0x1  }
0x2: {  	[smem:$0x3F9F] =	sst lr;
	_ =	strace $0xD0000000  }
0x3: {  	_ = 	snop  }
0x4: {  	_ = 	snop  }
0x5: {  	_ = 	snop  }
0x6: {  	_ = 	snop  }
0x7: {  	_ = 	snop  }
__scs_overlays_trampoline_lowered:
0x8: {  	[smem:$0x3FAE] =	sst s0  }
0x9: {  	[smem:$0x3FAF] =	sst s1  }
0xa: {  	[smem:$0x3FB0] =	sst s2  }
0xb: {  	[smem:$0x3FB1] =	sst s3  }
0xc: {  	[smem:$0x3FB2] =	sst s4  }
0xd: {  	[smem:$0x3FB3] =	sst s5  }
0xe: {  	[smem:$0x3FB4] =	sst s6  }
0xf: {  	[smem:$0x3FB5] =	sst s7  }
0x10: {  	[smem:$0x3FB6] =	sst s8  }
0x11: {  	[smem:$0x3FB7] =	sst s9;
	s0 =	simm.s32 @!p0 $0x0  }
0x12: {  	s1 =	sld [smem:$0x3F9D];
	s0 =	simm.s32 @p0 $0x1  }
0x13: {  	[smem:$0x3FB8] =	sst s0;
	s0 =	simm.s32 @!p1 $0x0  }
0x14: {  	s2 =	sld [smem:$0x3F9C];
	s0 =	simm.s32 @p1 $0x1  }
0x15: {  	[smem:$0x3FB9] =	sst s0;
	s0 =	simm.s32 @!p2 $0x0  }
0x16: {  	s3 =	sld [smem:$0x3FDB];
	s0 =	simm.s32 @p2 $0x1  }
0x17: {  	s4 =	simm.s32 $0x1BF5;
	[smem:$0x3FBB] =	sst s0  }
0x18: {  	s0 =	sld [smem:$0x3F9E];
	_ =	swait.ge [sflag:s4], $0x0  }
0x19: {  	s7 =	sld [smem:$0x3F9F]  }
0x1a: {  	s8 =	sadd.s32 $0xFFFFE003, lr  }
0x1b: {  	s9 =	sadd.s32 $0xFFFFFEF7, lr;
	s5 =	simm.s32 $0xFFFFFFFF;
	p2 =	slt.u32 s8, $0xFFFFF086  }
0x1c: {  	p1 =	slt.u32 s9, $0xF7A;
	s5 =	simm.s32 @!p2 $0x0  }
0x1d: {  	s5 =	simm.s32 @p1 $0x1;
	p0 =	seq.s32 s7, s2  }
0x1e: {  	s7 =	smul.u32 @!p0 $0xF7A, s2;
	p2 =	seq.s32 @!p0 s5, $0x0  }
0x1f: {  	s9 =	smul.u32 $0xF7A, s1;
	s8 =	simm.s32 @!p0 $0x1BF5;
	p2 =	por !p2, p0  }
0x20: {  	[sflag:s8] =	ssyncset.s32 @!p0 $0xFFFFF086;
	s6 =	sadd.s32 @!p0 s3, s7;
	s7 =	simm.s32 @!p0 $0x108  }
0x21: {  	s3 =	sadd.s32 s3, s9;
	s6 =	sadd.s32 @!p0 $0x88, s6;
	s7 =	simm.s32 @p2 $0x1082  }
0x22: {  	[simem:s7], [sflag:s8] =	dma.local @!p0 [hbm:s6], $0xF7A  }
0x23: {  	s9 =	sor.u32 $0xD0000000, s2;
	s6 =	simm.s32 $0x108;
	_ =	swait.ge @!p0 [sflag:s8], $0x0  }
0x24: {  	s3 =	sadd.s32 $0x88, s3;
	s6 =	simm.s32 @!p1 $0x1082;
	[sflag:s4] =	ssyncset.s32 $0xFFFFF086  }
0x25: {  	[simem:s6], [sflag:s4] =	dma.local [hbm:s3], $0xF7A  }
0x26: {  	[smem:$0x3F9F] =	sst s1;
	(tag) =	ssettag s2;
	_ =	strace s9  }
0x27: {  	s1 =	sld [smem:$0x3FAF]  }
0x28: {  	s2 =	sld [smem:$0x3FB0]  }
0x29: {  	s4 =	sld [smem:$0x3FB2]  }
0x2a: {  	p0 =	seq.s32 s5, $0x0;
	s5 =	sld [smem:$0x3FB3]  }
0x2b: {  	s6 =	sld [smem:$0x3FB4]  }
0x2c: {  	s7 =	sld [smem:$0x3FB5]  }
0x2d: {  	s3 =	simm.s32 $0x108;
	s8 =	sld [smem:$0x3FB6]  }
0x2e: {  	s3 =	simm.s32 @!p0 $0x1082;
	s9 =	sld [smem:$0x3FB7]  }
0x2f: {  	lr =	sadd.s32 s0, s3;
	s0 =	sld [smem:$0x3FAE]  }
0x30: {  	s3 =	sld [smem:$0x3FB1]  }
0x31: {  	[smem:$0x3FBA] =	sst s10  }
0x32: {  	s10 =	sld [smem:$0x3FB8];
	_ =	sdelay $0x3  }
0x33: {  	p0 =	seq.s32 s10, $0x1;
	s10 =	sld [smem:$0x3FBA];
	_ =	sdelay $0x3  }
0x34: {  	[smem:$0x3FBA] =	sst s10  }
0x35: {  	s10 =	sld [smem:$0x3FB9];
	_ =	sdelay $0x3  }
0x36: {  	p1 =	seq.s32 s10, $0x1;
	s10 =	sld [smem:$0x3FBA];
	_ =	sdelay $0x3  }
0x37: {  	[smem:$0x3FBA] =	sst s10  }
0x38: {  	s10 =	sld [smem:$0x3FBB]  }
0x39: {  	_ = 	snop;
	(pc) =	sbr.ind lr, $3  }
0x3a: {  	_ = 	snop  }
0x3b: {  	_ = 	snop  }
0x3c: {  	p2 =	seq.s32 s10, $0x1;
	s10 =	sld [smem:$0x3FBA]  }
0x3d: {  	_ =	shalt  }
0x3e: {  	_ =	shalt  }
0x3f: {  	_ =	shalt  }
0x40: {  	_ =	shalt  }
0x41: {  	_ =	shalt  }
0x42: {  	_ =	shalt  }
0x43: {  	_ =	shalt  }
0x44: {  	_ =	shalt  }
0x45: {  	_ =	shalt  }
0x46: {  	_ =	shalt  }
0x47: {  	_ =	shalt  }
0x48: {  	_ =	shalt  }
0x49: {  	_ =	shalt  }
0x4a: {  	_ =	shalt  }
0x4b: {  	_ =	shalt  }
0x4c: {  	_ =	shalt  }
0x4d: {  	_ =	shalt  }
0x4e: {  	_ =	shalt  }
0x4f: {  	_ =	shalt  }
0x50: {  	_ =	shalt  }
0x51: {  	_ =	shalt  }
0x52: {  	_ =	shalt  }
0x53: {  	_ =	shalt  }
0x54: {  	_ =	shalt  }
0x55: {  	_ =	shalt  }
0x56: {  	_ =	shalt  }
0x57: {  	_ =	shalt  }
0x58: {  	_ =	shalt  }
0x59: {  	_ =	shalt  }
0x5a: {  	_ =	shalt  }
0x5b: {  	_ =	shalt  }
0x5c: {  	_ =	shalt  }
0x5d: {  	_ =	shalt  }
0x5e: {  	_ =	shalt  }
0x5f: {  	_ =	shalt  }
0x60: {  	_ =	shalt  }
0x61: {  	_ =	shalt  }
0x62: {  	_ =	shalt  }
0x63: {  	_ =	shalt  }
0x64: {  	_ =	shalt  }
0x65: {  	_ =	shalt  }
0x66: {  	_ =	shalt  }
0x67: {  	_ =	shalt  }
0x68: {  	_ =	shalt  }
0x69: {  	_ =	shalt  }
0x6a: {  	_ =	shalt  }
0x6b: {  	_ =	shalt  }
0x6c: {  	_ =	shalt  }
0x6d: {  	_ =	shalt  }
0x6e: {  	_ =	shalt  }
0x6f: {  	_ =	shalt  }
0x70: {  	_ =	shalt  }
0x71: {  	_ =	shalt  }
0x72: {  	_ =	shalt  }
0x73: {  	_ =	shalt  }
0x74: {  	_ =	shalt  }
0x75: {  	_ =	shalt  }
0x76: {  	_ =	shalt  }
0x77: {  	_ =	shalt  }
0x78: {  	_ =	shalt  }
0x79: {  	_ =	shalt  }
0x7a: {  	_ =	shalt  }
0x7b: {  	_ =	shalt  }
0x7c: {  	_ =	shalt  }
0x7d: {  	_ =	shalt  }
0x7e: {  	_ =	shalt  }
0x7f: {  	_ =	shalt  }
0x80: {  	_ =	shalt  }
0x81: {  	_ =	shalt  }
0x82: {  	_ =	shalt  }
0x83: {  	_ =	shalt  }
0x84: {  	_ =	shalt  }
0x85: {  	_ =	shalt  }
0x86: {  	_ =	shalt  }
0x87: {  	_ =	shalt  }
.Lfunc_end0:
.L_simem_size_0:
called_computation_lowered:
.L_overlay_start_0:
0x88: {  	s0 =	sld [smem:$0x3FD9]  }
0x89: {  	s1 =	sld [smem:$0x3FFE];
	_ =	sdelay $0x3  }
0x8a: {  	s0 =	sadd.s32 s1, s0  }
0x8b: {  	[smem:$0x3FC6] =	sst s0  }
0x8c: {  	_ = 	snop  }
0x8d: {  	s0 =	sld [smem:$0x3FC9]  }
0x8e: {  	s16 =	sld [smem:$0x3FD0];
	(tm) =	ssettm $0x1  }
0x8f: {  	s2 =	sld [smem:$0x3FFB];
	_ =	sdelay $0x3  }
0x90: {  	_ =	strace s2  }
0x91: {  	s2 =	sld [smem:$0x3FFC];
	_ =	sdelay $0x3  }
0x92: {  	_ =	strace s2  }
0x93: {  	s2 =	sld [smem:$0x3FFD];
	_ =	sdelay $0x3  }
0x94: {  	_ =	strace s2  }
0x95: {  	_ =	strace $0x8FFFFFFF  }
0x96: {  	s17 =	sld [smem:$0x3FDB];
	_ =	sdelay $0x1  }
0x97: {  	s3 =	simm.s32 $_scs_section_size  }
0x98: {  	s4 =	simm.s32 $_size__tile_overlayer_lowered;
	s5 =	simm.s32 $_tile_overlayer_lowered  }
0x99: {  	s20 =	simm.s32 $0x1BFF;
	s19 =	sshll.u32 s5, $0x1;
	s2 =	sadd.s32 s3, s17  }
0x9a: {  	s6 =	simm.s32 $0x0;
	s18 =	sshll.u32 s4, $0x1;
	s4 =	sadd.s32 s19, s2  }
0x9b: {  	[timem:s6], [sflag:s20] =	dma.local [hbm:s4], s18  }
0x9c: {  	_ =	swait.ge [sflag:s20], s18  }
0x9d: {  	s3 =	ssub.s32 $0x0, s18;
	[sflag:s20] =	ssyncset.done $0x0  }
0x9e: {  	[sflag:s20] =	ssyncadd.s32 s3;
	_ =	sdelay $0x1  }
0x9f: {  	s21 =	simm.s32 $0x1B8B  }
0xa0: {  	_ =	swait.ge [sflag:s21], $0x1  }
0xa1: {  	[sflag:s21] =	ssyncset.done $0x0  }
0xa2: {  	s23 =	simm.s32 $0x1B8E;
	s22 =	sld [smem:$0x3FFE];
	[sflag:s21] =	ssyncadd.s32 $0xFFFFFFFF  }
0xa3: {  	s24 =	simm.s32 $execute0_lowered;
	[smem:$0x3FD2] =	sst s23  }
0xa4: {  	s4 =	sshll.u32 s24, $0x1;
	_ =	strace $0x80000046;
	[dreg:$0x1] =	wrdreg $0xFFFFFFFF  }
0xa5: {  	s25 =	simm.s32 $_size_execute0_lowered;
	s2 =	sadd.s32 s2, s4;
	[dreg:$0x0] =	wrdreg $0x0  }
0xa6: {  	s4 =	sshll.u32 s25, $0x1;
	[dreg:$0x2] =	wrdreg s2  }
0xa7: {  	[dreg:$0x3] =	wrdreg s4  }
0xa8: {  	[dreg:$0x4] =	wrdreg $0xC0  }
0xa9: {  	_ =	task [dreg:s6], $0x5FFFF  }
0xaa: {  	[dreg:$0x1] =	wrdreg $0xFFFFFFFF  }
0xab: {  	[dreg:$0x0] =	wrdreg $0x60  }
0xac: {  	[dreg:$0x2] =	wrdreg s0  }
0xad: {  	[dreg:$0x3] =	wrdreg s22  }
0xae: {  	[dreg:$0x4] =	wrdreg s16  }
0xaf: {  	[dreg:$0x5] =	wrdreg $0x9  }
0xb0: {  	_ =	task.clear_ibuf [dreg:s6], $0x6FFFF;
	_ =	strace $0x90000046  }
0xb1: {  	s26 =	simm.s32 $0x9;
	_ =	strace $0x80000048  }
0xb2: {  	_ =	swait.ge [sflag:s26], $0x1  }
0xb3: {  	[sflag:s26] =	ssyncadd.s32 $0xFFFFFFFF  }
0xb4: {  	_ =	strace $0x90000048  }
0xb5: {  	_ =	sfence  }
0xb6: {  	s28 =	sld [smem:$0x0];
	_ =	sdelay $0x1  }
0xb7: {  	s29 =	srdreg.scid  }
0xb8: {  	s30 =	sshll.u32 s29, $0xD;
	s31 =	sshrl.u32 s29, $0x2  }
0xb9: {  	s1 =	sand.u32 $0x1, s29;
	s2 =	sand.u32 $0x4000, s30;
	s0 =	sadd.s32 s31, s28  }
0xba: {  	s1 =	sor.u32 s2, s1;
	s0 =	sshll.u32 s0, $0x11  }
0xbb: {  	s0 =	sor.u32 s0, s1  }
0xbc: {  	s0 =	sadd.s32 $0x8F2B, s0  }
0xbd: {  	[sflag:s0] =	ssyncadd.remote.s32 $0x1  }
0xbe: {  	_ =	sfence.sel $0xFFFF  }
0xbf: {  	[dreg:$0x0] =	wrdreg $0xFFFFFFFF;
	(pc) =	sbr.abs _section_cstart, $3  }
0xc0: {  	[dreg:$0x1] =	wrdreg $0xFFFFFFFF  }
0xc1: {  	_ =	task.clear_ibuf [dreg:s6], $0x2FFFF;
	_ =	strace $0x9FFFFFFF  }
0xc2: {  	(tm) =	ssettm $0x7FFFFFFF  }
0xc3: {  	_ =	shalt  }
tec
execute0_lowered:
.L_overlay_start_1:
0x0: {  	(tag) =	ssettag $0x1  }
0x1: {  	s1 =	stileid.u32  }
0x2: {  	p0 =	sgt.u32 s1, $0x7  }
.Ltmp0:
0x3: {  	s2 =	rddreg [dreg:$0x0];
	(pc) =	sbr.rel @p0 .LBB2_4-.Ltmp0, $4  }
0x4: {  	s5 =	rddreg [dreg:$0x1]  }
0x5: {  	s3 =	rddreg [dreg:$0x2];
	s4 =	simm.s32 $0x0  }
0x6: {  	[smem:$0x7FF] =	sst s4  }
0x7: {  	s0 =	rddreg [dreg:$0x3];
	_ =	strace $0x80000047  }
0x8: {  	s5 =	sadd.s32 $0x600, s5;
	s28 =	simm.s32 $0x3  }
0x9: {  	[tilespmem:s4], [sflag:$0x3] =	stream.linear.gather [hbm4b:s5+s4], $0x80, $0x38;
	[tilespmem:$0xD00] =	vst v63  }
0xa: {  	_ =	swait.ge [sflag:s28], $0x80  }
0xb: {  	[sflag:s28] =	ssyncset.done $0x0  }
0xc: {  	[sflag:s28] =	ssyncadd.s32 $0xFFFFFF80  }
0xd: {  	v0 =	vld [tilespmem:$0x0]  }
0xe: {  	v1 =	vld [tilespmem:$0x10]  }
0xf: {  	v2 =	vld [tilespmem:$0x20]  }
0x10: {  	v3 =	vld [tilespmem:$0x30]  }
0x11: {  	v4 =	vld [tilespmem:$0x40]  }
0x12: {  	v5 =	vld [tilespmem:$0x50]  }
0x13: {  	v6 =	vld [tilespmem:$0x60]  }
0x14: {  	v7 =	vld [tilespmem:$0x70]  }
0x15: {  	v8 =	vshrl.u32 v0, $0x1  }
0x16: {  	v63 =	vshrl.u32 v1, $0x1;
	v4 =	vadd.s32 v8, v4  }
0x17: {  	[tilespmem:$0x80] =	vst v4;
	v4 =	vadd.s32 v63, v5;
	v5 =	vshrl.u32 v2, $0x1  }
0x18: {  	s29 =	sshll.u32 s1, $0x5;
	[tilespmem:$0x90] =	vst v4;
	v4 =	vadd.s32 v5, v6;
	v5 =	vshrl.u32 v3, $0x1  }
0x19: {  	s6 =	sshrl.u32 s29, $0x2;
	[tilespmem:$0xA0] =	vst v4;
	v4 =	vadd.s32 v5, v7  }
0x1a: {  	s6 =	sor.u32 $0x80, s6;
	[tilespmem:$0xB0] =	vst v4  }
0x1b: {  	v4 =	vld.msk [tilespmem:s6+$0x0], $0x3;
	_ =	sdelay $0x4  }
0x1c: {  	v5 =	vshll.u32 v4, $0x3  }
0x1d: {  	v6 =	vlaneseq.u32;
	v4 =	vand.u32 $0x7, v4;
	v5 =	vand.u32 $0xFFFFFFC0, v5  }
0x1e: {  	v4 =	vor.u32 v4, v5;
	v5 =	vand.u32 $0x1, v6;
	v6 =	vshrl.u32 v6, $0x1  }
0x1f: {  	v4 =	vperm.xlane v4, v5;
	v5 =	vmul.u32 $0x8, v6;
	_ =	sdelay $0x1  }
0x20: {  	v4 =	vadd.s32 v5, v4  }
0x21: {  	s30 =	sshll.u32 s1, $0x8  }
0x22: {  	s5 =	sor.u32 s29, s30  }
0x23: {  	s5 =	sand.u32 $0x460, s5  }
0x24: {  	vm0 =	vmmov $0xffff;
	s31 =	simm.s32 $0x100;
	s3 =	sadd.s32 s3, s5  }
0x25: {  	[tilespmem:s31], [sflag:$0x1] =	stream.indirect_vreg.gather [hbm4b:s2+s4], $0x80, v4, vm0, $0xb8;
	[tilespmem:$0xD00] =	vst v63  }
0x26: {  	s5 =	simm.s32 $0x0;
	s2 =	sadd.s32 $0x10, s3;
	v4 =	vimm.f32 $0.0e+00;
	s4 =	simm.s32 $0x40  }
.LBB2_2:
0x27: {  	p0 =	sne.s32 s4, $0xFC0;
	[tilespmem:s5+$0x900] =	vst v4;
	s5 =	smov.u32 s4;
	s4 =	sadd.s32 $0x40, s4  }
.Ltmp1:
0x28: {  	(pc) =	sbr.rel @p0 .LBB2_2-.Ltmp1, $2  }
0x29: {  	_ =	sdelay $0x2  }
0x2a: {  	s5 =	sshra.s32 s5, $0x2  }
0x2b: {  	[tilespmem:s5+$0x900] =	vst v4;
	s4 =	simm.s32 $0x1  }
0x2c: {  	_ =	swait.ge [sflag:s4], $0x800  }
0x2d: {  	s28 =	simm.s32 $0x400;
	[sflag:s4] =	ssyncset.done $0x0  }
0x2e: {  	s29 =	simm.s32 $0x100;
	s30 =	simm.s32 $0x2;
	[sflag:s4] =	ssyncadd.s32 $0xFFFFF800  }
0x2f: {  	[hbm4b:s3+s29] =	stream.strided.scatter [tilespmem:s29], [sflag:$0x2], $0x800, s28, s29, $0x38;
	[tilespmem:$0xD00] =	vst v63  }
0x30: {  	_ =	swait.ge [sflag:s30], $0x800  }
0x31: {  	(v2sf) =	vpush v3, $0x8  }
0x32: {  	(v2sf) =	vpush v3, $0x0  }
0x33: {  	(v2sf) =	vpush v2, $0x8  }
0x34: {  	(v2sf) =	vpush v2, $0x0  }
0x35: {  	(v2sf) =	vpush v1, $0x8  }
0x36: {  	(v2sf) =	vpush v1, $0x0  }
0x37: {  	(v2sf) =	vpush v0, $0x8  }
0x38: {  	(v2sf) =	vpush v0, $0x0;
	_ =	sdelay $0x7  }
0x39: {  	s5 =	spop (v2sf)  }
0x3a: {  	p1 =	seq.s32 s1, $0x6;
	s6 =	spop (v2sf)  }
0x3b: {  	p0 =	seq.s32 s1, $0x5;
	s5 =	smov.u32 @p1 s6;
	s6 =	spop (v2sf)  }
0x3c: {  	p2 =	seq.s32 s1, $0x4;
	s5 =	smov.u32 @p0 s6;
	s6 =	spop (v2sf)  }
0x3d: {  	p3 =	seq.s32 s1, $0x3;
	s5 =	smov.u32 @p2 s6;
	s6 =	spop (v2sf)  }
0x3e: {  	p4 =	seq.s32 s1, $0x2;
	s5 =	smov.u32 @p3 s6;
	s6 =	spop (v2sf)  }
0x3f: {  	p5 =	seq.s32 s1, $0x1;
	s5 =	smov.u32 @p4 s6;
	s6 =	spop (v2sf)  }
0x40: {  	p6 =	seq.s32 s1, $0x0;
	s5 =	smov.u32 @p5 s6;
	s6 =	spop (v2sf)  }
0x41: {  	s7 =	simm.s32 @!p0 $0x0;
	[sflag:s30] =	ssyncset.done $0x0;
	s5 =	smov.u32 @p6 s6  }
0x42: {  	s7 =	simm.s32 @p0 $0x1;
	[sflag:s30] =	ssyncadd.s32 $0xFFFFF800;
	p0 =	sne.s32 s5, $0x0  }
0x43: {  	s4 =	simm.s32 @!p0 $0x80;
	s5 =	simm.s32 @!p0 $0x400;
	s6 =	simm.s32 @!p0 $0x900  }
0x44: {  	[hbm4b:s3+s4] =	stream.strided.scatter @!p0 [tilespmem:s6], [sflag:$0x3], $0x400, s5, s4, $0x38;
	[tilespmem:$0xD00] =	vst v63  }
0x45: {  	[smem:$0x7FD] =	sst s7;
	s3 =	simm.s32 @!p0 $0x3  }
0x46: {  	_ =	swait.ge @!p0 [sflag:s3], $0x400  }
0x47: {  	(v2sf) =	vpush v3, $0x9  }
0x48: {  	(v2sf) =	vpush v3, $0x1  }
0x49: {  	(v2sf) =	vpush v2, $0x9  }
0x4a: {  	(v2sf) =	vpush v2, $0x1  }
0x4b: {  	(v2sf) =	vpush v1, $0x9  }
0x4c: {  	(v2sf) =	vpush v1, $0x1  }
0x4d: {  	(v2sf) =	vpush v0, $0x9  }
0x4e: {  	(v2sf) =	vpush v0, $0x1;
	_ =	sdelay $0x6  }
0x4f: {  	s31 =	sld [smem:$0x7FD]  }
0x50: {  	s4 =	spop (v2sf)  }
0x51: {  	s5 =	spop (v2sf)  }
0x52: {  	s4 =	smov.u32 @p1 s5;
	s5 =	spop (v2sf);
	p1 =	seq.s32 s31, $0x1  }
0x53: {  	s4 =	smov.u32 @p1 s5;
	s5 =	spop (v2sf)  }
0x54: {  	s4 =	smov.u32 @p2 s5;
	s5 =	spop (v2sf)  }
0x55: {  	s4 =	smov.u32 @p3 s5;
	s5 =	spop (v2sf)  }
0x56: {  	s4 =	smov.u32 @p4 s5;
	s5 =	spop (v2sf)  }
0x57: {  	s4 =	smov.u32 @p5 s5;
	s5 =	spop (v2sf)  }
0x58: {  	[sflag:s3] =	ssyncset.done @!p0 $0x0;
	s4 =	smov.u32 @p6 s5  }
0x59: {  	[sflag:s3] =	ssyncadd.s32 @!p0 $0xFFFFFC00;
	p0 =	sne.s32 s4, $0x0  }
0x5a: {  	s3 =	simm.s32 @!p0 $0x80;
	s4 =	simm.s32 @!p0 $0x400;
	s5 =	simm.s32 @!p0 $0x900  }
0x5b: {  	[hbm4b:s2+s3] =	stream.strided.scatter @!p0 [tilespmem:s5], [sflag:$0x3], $0x400, s4, s3, $0x38;
	[tilespmem:$0xD00] =	vst v63  }
0x5c: {  	s2 =	simm.s32 @!p0 $0x3  }
0x5d: {  	_ =	swait.ge @!p0 [sflag:s2], $0x400  }
0x5e: {  	[sflag:s2] =	ssyncset.done @!p0 $0x0  }
0x5f: {  	[sflag:s2] =	ssyncadd.s32 @!p0 $0xFFFFFC00  }
.LBB2_4:
0x60: {  	_ =	sfence.sel $0x180000  }
0x61: {  	[bflag:$0x0] =	sbarrier.arrive $0xFFFF  }
0x62: {  	p0 =	sne.s32 s1, $0x0;
	_ =	strace $0x90000047  }
0x63: {  	s0 =	sadd.s32 @!p0 $0x100000, s0;
	[bflag:$0x2] =	sbarrier.arrive $0xFFFF  }
0x64: {  	[sflag:s0] =	ssyncadd.tile.s32 @!p0 $0x1;
	_ =	shalt  }
.Lfunc_end2:
_tile_overlayer_lowered:
.L_overlay_start_2:
0x65: {  	(tag) =	ssettag $0x2  }
0x66: {  	s0 =	rddreg [dreg:$0x0];
	s2 =	stileid.u32  }
0x67: {  	s1 =	rddreg [dreg:$0x1];
	p0 =	sne.s32 s2, $0x0  }
0x68: {  	s3 =	rddreg [dreg:$0x2];
	[bflag:$0x3] =	sbarrier.arrive $0xFFFF;
	s2 =	simm.s32 @!p0 $0x1C03  }
0x69: {  	[timem:s3], [sflag:s2] =	dma.local @!p0 [hbm:s0], s1  }
0x6a: {  	s0 =	simm.s32 @!p0 $0x3  }
0x6b: {  	_ =	swait.ge @!p0 [sflag:s0], s1  }
0x6c: {  	s1 =	ssub.s32 @!p0 $0x0, s1;
	[sflag:s0] =	ssyncset.done @!p0 $0x0  }
0x6d: {  	[sflag:s0] =	ssyncadd.s32 @!p0 s1  }
0x6e: {  	[bflag:$0x3] =	sbarrier.arrive $0xFFFF  }
0x6f: {  	_ =	shalt  }

</sc_bundles>
